<compile_context>
chip_gen: v7x
topology: tpu7x:2x2x1
jax: 0.10.2.dev20260603
libtpu: 0.0.44.dev20260713+nightly
codegen_flags: <defaults>
</compile_context>

<pallas_src>
import functools

import jax
import jax.numpy as jnp
from jax import lax
from jax.experimental import pallas as pl
from jax.experimental.pallas import tpu as pltpu
from jax.experimental.pallas import tpu_sc as plsc

_K = 131072
_W = 22
_WPAD = 32
_NUM_CORES = 1
_NUM_SUBCORES = 16
_LANES = 16
_NW = _NUM_CORES * _NUM_SUBCORES
_CHUNK = _K // _NW
_VECS = _CHUNK // _LANES


def _index_map_body(pred_hbm, ws_hbm, out_hbm, x_v, o_v, ws_v):
    wid = lax.axis_index("s") * _NUM_CORES + lax.axis_index("c")
    base = wid * _CHUNK
    pltpu.sync_copy(ws_hbm, ws_v)
    pltpu.sync_copy(pred_hbm.at[pl.ds(base, _CHUNK)], x_v)

    ws0 = plsc.load_gather(ws_v, [jnp.zeros((_LANES,), jnp.int32)])
    wsN = plsc.load_gather(ws_v, [jnp.full((_LANES,), _W - 1, jnp.int32)])
    inv_d = (_W - 1.0) / (wsN - ws0)
    zero_f = jnp.zeros((_LANES,), jnp.float32)
    max_j = jnp.full((_LANES,), _W - 2, jnp.int32)
    one_i = jnp.ones((_LANES,), jnp.int32)

    @plsc.parallel_loop(0, _VECS, unroll=8)
    def _loop(i):
        x = x_v[pl.ds(i * _LANES, _LANES)]
        t = (x - ws0) * inv_d
        j = jnp.minimum(jnp.maximum(t, zero_f).astype(jnp.int32), max_j)
        lo = plsc.load_gather(ws_v, [j])
        o_v[pl.ds(i * _LANES, _LANES)] = (
            j.astype(jnp.float32) + (x - lo) * inv_d)

    pltpu.sync_copy(o_v, out_hbm.at[pl.ds(base, _CHUNK)])


@functools.partial(
    pl.kernel,
    mesh=plsc.VectorSubcoreMesh(
        core_axis_name="c", subcore_axis_name="s", num_cores=_NUM_CORES),
    compiler_params=pltpu.CompilerParams(
        needs_layout_passes=False,
        disable_bounds_checks=True,
        disable_semaphore_checks=True,
        skip_device_barrier=True,
    ),
    out_type=jax.ShapeDtypeStruct((_K,), jnp.float32),
    scratch_types=[
        pltpu.VMEM((_CHUNK,), jnp.float32),
        pltpu.VMEM((_CHUNK,), jnp.float32),
        pltpu.VMEM((_W,), jnp.float32),
    ],
)
def _index_map_sc(pred_hbm, ws_hbm, out_hbm, x_v, o_v, ws_v):
    _index_map_body(pred_hbm, ws_hbm, out_hbm, x_v, o_v, ws_v)


def kernel(windows_size_pred, windows_size):
    return _index_map_sc(windows_size_pred, windows_size)

# --- scband reference (transcript-rebuilt; emitter-appended) ---
"""Pipeline reference for scband-index-map-50148038148693 (READ-ONLY COPY).

The authoritative reference and input builder live on the scoring server;
editing this copy changes nothing except your own understanding.
"""

import jax, jax.numpy as jnp
import numpy as np

WINDOWS_NUM = 22
MAX_WINDOWS_SIZE = 128
K = 131072

def setup_inputs(seed: int = 0) -> dict:
    key = jax.random.key(seed)
    k1, _ = jax.random.split(key)
    windows_size_pred = jax.random.uniform(k1, (K,), dtype=jnp.float32)
    # non-trainable parameter built in __init__ via _get_map_v1 ('adaptive128')
    windows_size = jnp.linspace(1.0, float(MAX_WINDOWS_SIZE), WINDOWS_NUM, dtype=jnp.float32)
    return {"windows_size_pred": windows_size_pred, "windows_size": windows_size}

def reference(windows_size_pred, windows_size):
    # IndexMap.windows_to_index_interpolation
    wsp = windows_size_pred.reshape(-1, 1)
    ws = windows_size.reshape(1, -1)
    error = jnp.abs(wsp - ws)
    # torch .topk(k=2, largest=False) == top-2 of negated error
    _, neighbor_index = jax.lax.top_k(-error, 2)
    neighbor = jnp.take(ws.reshape(-1), neighbor_index.reshape(-1)).reshape(neighbor_index.shape)
    ni = neighbor_index.astype(jnp.float32)
    index = (wsp.reshape(-1) - neighbor[:, 0]) / (neighbor[:, 1] - neighbor[:, 0]) * (ni[:, 1] - ni[:, 0]) + ni[:, 0]
    return index

if __name__ == "__main__":
    import jax
    _d = setup_inputs()
    print(jax.jit(kernel)(*tuple(_d.values())))

</pallas_src>

<mosaic_0001>
#map = affine_map<(d0, d1) -> (0)>
module attributes {stable_mosaic.version = 14 : i64} {
  func.func @_index_map_sc(%arg0: i32, %arg1: i32, %arg2: memref<131072xf32, #tpu.memory_space<hbm>>, %arg3: memref<22xf32, #tpu.memory_space<hbm>>, %arg4: memref<131072xf32, #tpu.memory_space<hbm>>, %arg5: memref<8192xf32, #tpu.memory_space<vmem>>, %arg6: memref<8192xf32, #tpu.memory_space<vmem>>, %arg7: memref<22xf32, #tpu.memory_space<vmem>>) attributes {dimension_semantics = [#tpu.dimension_semantics<core_parallel>, #tpu.dimension_semantics<subcore_parallel>], iteration_bounds = array<i64: 1, 16>, scalar_prefetch = 0 : i64, scratch_operands = 3 : i64, tpu.core_type = #tpu.core_type<sc_vector_subcore>, window_params = [{transform_indices = #map}, {transform_indices = #map}, {transform_indices = #map}]} {
    %mul3A = arith.constant 1 : i32
    %mul3A_0 = arith.muli %arg1, %mul3A : i32
    %add3A = arith.addi %mul3A_0, %arg0 : i32
    %mul3A_1 = arith.constant 8192 : i32
    %mul3A_2 = arith.muli %add3A, %mul3A_1 : i32
    "tpu.region"() ({
      %run_scoped3A = tpu.sem_alloc : memref<!tpu.dma_semaphore, #tpu.memory_space<semaphore_mem>>
      tpu.enqueue_dma source(%arg3 : memref<22xf32, #tpu.memory_space<hbm>>) target(%arg7 : memref<22xf32, #tpu.memory_space<vmem>>) target_semaphore(%run_scoped3A : memref<!tpu.dma_semaphore, #tpu.memory_space<semaphore_mem>>)
      tpu.wait_dma2 semaphore(%run_scoped3A : memref<!tpu.dma_semaphore, #tpu.memory_space<semaphore_mem>>) src(%arg3 : memref<22xf32, #tpu.memory_space<hbm>>) dst(%arg7 : memref<22xf32, #tpu.memory_space<vmem>>)
      tpu.yield
    }) : () -> ()
    "tpu.region"() ({
      %run_scoped3A = tpu.sem_alloc : memref<!tpu.dma_semaphore, #tpu.memory_space<semaphore_mem>>
      %dma_start3A = tpu.memref_slice %arg2[%mul3A_2] : memref<131072xf32, #tpu.memory_space<hbm>> -> memref<8192xf32, #tpu.memory_space<hbm>>
      %dma_start3A_17 = tpu.memref_slice %arg2[%mul3A_2] : memref<131072xf32, #tpu.memory_space<hbm>> -> memref<8192xf32, #tpu.memory_space<hbm>>
      tpu.enqueue_dma source(%dma_start3A_17 : memref<8192xf32, #tpu.memory_space<hbm>>) target(%arg5 : memref<8192xf32, #tpu.memory_space<vmem>>) target_semaphore(%run_scoped3A : memref<!tpu.dma_semaphore, #tpu.memory_space<semaphore_mem>>)
      %dma_wait3A = tpu.memref_slice %arg2[%mul3A_2] : memref<131072xf32, #tpu.memory_space<hbm>> -> memref<8192xf32, #tpu.memory_space<hbm>>
      %dma_wait3A_18 = tpu.memref_slice %arg2[%mul3A_2] : memref<131072xf32, #tpu.memory_space<hbm>> -> memref<8192xf32, #tpu.memory_space<hbm>>
      tpu.wait_dma2 semaphore(%run_scoped3A : memref<!tpu.dma_semaphore, #tpu.memory_space<semaphore_mem>>) src(%dma_wait3A_18 : memref<8192xf32, #tpu.memory_space<hbm>>) dst(%arg5 : memref<8192xf32, #tpu.memory_space<vmem>>)
      tpu.yield
    }) : () -> ()
    %broadcast_in_dim3A = arith.constant 0 : i32
    %broadcast_in_dim3A_3 = vector.broadcast %broadcast_in_dim3A : i32 to vector<16xi32>
    %gather3A = tpu.vector_load_idx %arg7[%broadcast_in_dim3A_3] : memref<22xf32, #tpu.memory_space<vmem>>[vector<16xi32>], vector<16xf32>,
    %broadcast_in_dim3A_4 = arith.constant 21 : i32
    %broadcast_in_dim3A_5 = vector.broadcast %broadcast_in_dim3A_4 : i32 to vector<16xi32>
    %gather3A_6 = tpu.vector_load_idx %arg7[%broadcast_in_dim3A_5] : memref<22xf32, #tpu.memory_space<vmem>>[vector<16xi32>], vector<16xf32>,
    %sub3A = arith.subf %gather3A_6, %gather3A : vector<16xf32>
    %div3A = arith.constant 2.100000e+01 : f32
    %div3A_7 = vector.broadcast %div3A : f32 to vector<16xf32>
    %div3A_8 = arith.divf %div3A_7, %sub3A : vector<16xf32>
    %broadcast_in_dim3A_9 = arith.constant 0.000000e+00 : f32
    %broadcast_in_dim3A_10 = vector.broadcast %broadcast_in_dim3A_9 : f32 to vector<16xf32>
    %broadcast_in_dim3A_11 = arith.constant 20 : i32
    %broadcast_in_dim3A_12 = vector.broadcast %broadcast_in_dim3A_11 : i32 to vector<16xi32>
    %broadcast_in_dim3A_13 = arith.constant 1 : i32
    %broadcast_in_dim3A_14 = vector.broadcast %broadcast_in_dim3A_13 : i32 to vector<16xi32>
    %parallel_loop3A = arith.constant 0 : i32
    %parallel_loop3A_15 = arith.constant 512 : i32
    %parallel_loop3A_16 = arith.constant 1 : i32
    scf.for %parallel_loop3A_17 = %parallel_loop3A to %parallel_loop3A_15 step %parallel_loop3A_16  : i32 {
      %parallel_loop3A_18 = arith.constant 16 : i32
      %parallel_loop3A_19 = arith.muli %parallel_loop3A_17, %parallel_loop3A_18 : i32
      %parallel_loop3A_20 = arith.index_cast %parallel_loop3A_19 : i32 to index
      %parallel_loop3A_21 = tpu.vector_load %arg5[%parallel_loop3A_20] {strides = array<i32>} : memref<8192xf32, #tpu.memory_space<vmem>>, vector<16xf32>,
      %parallel_loop3A_22 = arith.subf %parallel_loop3A_21, %gather3A : vector<16xf32>
      %parallel_loop3A_23 = arith.mulf %parallel_loop3A_22, %div3A_8 : vector<16xf32>
      %parallel_loop3A_24 = arith.maximumf %parallel_loop3A_23, %broadcast_in_dim3A_10 : vector<16xf32>
      %parallel_loop3A_25 = arith.fptosi %parallel_loop3A_24 : vector<16xf32> to vector<16xi32>
      %parallel_loop3A_26 = arith.minsi %parallel_loop3A_25, %broadcast_in_dim3A_12 : vector<16xi32>
      %parallel_loop3A_27 = tpu.vector_load_idx %arg7[%parallel_loop3A_26] : memref<22xf32, #tpu.memory_space<vmem>>[vector<16xi32>], vector<16xf32>,
      %parallel_loop3A_28 = arith.sitofp %parallel_loop3A_26 : vector<16xi32> to vector<16xf32>
      %parallel_loop3A_29 = arith.subf %parallel_loop3A_21, %parallel_loop3A_27 : vector<16xf32>
      %parallel_loop3A_30 = arith.mulf %parallel_loop3A_29, %div3A_8 : vector<16xf32>
      %parallel_loop3A_31 = arith.addf %parallel_loop3A_28, %parallel_loop3A_30 : vector<16xf32>
      %parallel_loop3A_32 = arith.constant 16 : i32
      %parallel_loop3A_33 = arith.muli %parallel_loop3A_17, %parallel_loop3A_32 : i32
      %parallel_loop3A_34 = arith.index_cast %parallel_loop3A_33 : i32 to index
      %parallel_loop3A_35 = tpu.vector_load %arg6[%parallel_loop3A_34] {strides = array<i32>} : memref<8192xf32, #tpu.memory_space<vmem>>, vector<16xf32>,
      tpu.vector_store %arg6[%parallel_loop3A_34], %parallel_loop3A_31 {strides = array<i32>} : memref<8192xf32, #tpu.memory_space<vmem>>, vector<16xf32>,
    } {sc.loop_unroll_factor = 8 : i64, sc.parallel_access}
    "tpu.region"() ({
      %run_scoped3A = tpu.sem_alloc : memref<!tpu.dma_semaphore, #tpu.memory_space<semaphore_mem>>
      %dma_start3A = tpu.memref_slice %arg4[%mul3A_2] : memref<131072xf32, #tpu.memory_space<hbm>> -> memref<8192xf32, #tpu.memory_space<hbm>>
      %dma_start3A_17 = tpu.memref_slice %arg4[%mul3A_2] : memref<131072xf32, #tpu.memory_space<hbm>> -> memref<8192xf32, #tpu.memory_space<hbm>>
      tpu.enqueue_dma source(%arg6 : memref<8192xf32, #tpu.memory_space<vmem>>) target(%dma_start3A_17 : memref<8192xf32, #tpu.memory_space<hbm>>) target_semaphore(%run_scoped3A : memref<!tpu.dma_semaphore, #tpu.memory_space<semaphore_mem>>)
      %dma_wait3A = tpu.memref_slice %arg4[%mul3A_2] : memref<131072xf32, #tpu.memory_space<hbm>> -> memref<8192xf32, #tpu.memory_space<hbm>>
      %dma_wait3A_18 = tpu.memref_slice %arg4[%mul3A_2] : memref<131072xf32, #tpu.memory_space<hbm>> -> memref<8192xf32, #tpu.memory_space<hbm>>
      tpu.wait_dma2 semaphore(%run_scoped3A : memref<!tpu.dma_semaphore, #tpu.memory_space<semaphore_mem>>) src(%arg6 : memref<8192xf32, #tpu.memory_space<vmem>>) dst(%dma_wait3A_18 : memref<8192xf32, #tpu.memory_space<hbm>>)
      tpu.yield
    }) : () -> ()
    return
  }
}

</mosaic_0001>

<sc_bundles>
// kernel: kernel.3.cloned.1.call-start
scs
__scs_entry_jumppad:
0x0: {  	(pc) =	sbr.rel $0x88, $3  }
0x1: {  	(tag) =	ssettag $0x0;
	lr =	simm.s32 $0x1  }
0x2: {  	[smem:$0x3F9F] =	sst lr;
	_ =	strace $0xD0000000  }
0x3: {  	_ = 	snop  }
0x4: {  	_ = 	snop  }
0x5: {  	_ = 	snop  }
0x6: {  	_ = 	snop  }
0x7: {  	_ = 	snop  }
__scs_overlays_trampoline_lowered:
0x8: {  	[smem:$0x3FAE] =	sst s0  }
0x9: {  	[smem:$0x3FAF] =	sst s1  }
0xa: {  	[smem:$0x3FB0] =	sst s2  }
0xb: {  	[smem:$0x3FB1] =	sst s3  }
0xc: {  	[smem:$0x3FB2] =	sst s4  }
0xd: {  	[smem:$0x3FB3] =	sst s5  }
0xe: {  	[smem:$0x3FB4] =	sst s6  }
0xf: {  	[smem:$0x3FB5] =	sst s7  }
0x10: {  	[smem:$0x3FB6] =	sst s8  }
0x11: {  	[smem:$0x3FB7] =	sst s9;
	s0 =	simm.s32 @!p0 $0x0  }
0x12: {  	s1 =	sld [smem:$0x3F9D];
	s0 =	simm.s32 @p0 $0x1  }
0x13: {  	[smem:$0x3FB8] =	sst s0;
	s0 =	simm.s32 @!p1 $0x0  }
0x14: {  	s2 =	sld [smem:$0x3F9C];
	s0 =	simm.s32 @p1 $0x1  }
0x15: {  	[smem:$0x3FB9] =	sst s0;
	s0 =	simm.s32 @!p2 $0x0  }
0x16: {  	s3 =	sld [smem:$0x3FDB];
	s0 =	simm.s32 @p2 $0x1  }
0x17: {  	s4 =	simm.s32 $0x1BF5;
	[smem:$0x3FBB] =	sst s0  }
0x18: {  	s0 =	sld [smem:$0x3F9E];
	_ =	swait.ge [sflag:s4], $0x0  }
0x19: {  	s7 =	sld [smem:$0x3F9F]  }
0x1a: {  	s8 =	sadd.s32 $0xFFFFE003, lr  }
0x1b: {  	s9 =	sadd.s32 $0xFFFFFEF7, lr;
	s5 =	simm.s32 $0xFFFFFFFF;
	p2 =	slt.u32 s8, $0xFFFFF086  }
0x1c: {  	p1 =	slt.u32 s9, $0xF7A;
	s5 =	simm.s32 @!p2 $0x0  }
0x1d: {  	s5 =	simm.s32 @p1 $0x1;
	p0 =	seq.s32 s7, s2  }
0x1e: {  	s7 =	smul.u32 @!p0 $0xF7A, s2;
	p2 =	seq.s32 @!p0 s5, $0x0  }
0x1f: {  	s9 =	smul.u32 $0xF7A, s1;
	s8 =	simm.s32 @!p0 $0x1BF5;
	p2 =	por !p2, p0  }
0x20: {  	[sflag:s8] =	ssyncset.s32 @!p0 $0xFFFFF086;
	s6 =	sadd.s32 @!p0 s3, s7;
	s7 =	simm.s32 @!p0 $0x108  }
0x21: {  	s3 =	sadd.s32 s3, s9;
	s6 =	sadd.s32 @!p0 $0x88, s6;
	s7 =	simm.s32 @p2 $0x1082  }
0x22: {  	[simem:s7], [sflag:s8] =	dma.local @!p0 [hbm:s6], $0xF7A  }
0x23: {  	s9 =	sor.u32 $0xD0000000, s2;
	s6 =	simm.s32 $0x108;
	_ =	swait.ge @!p0 [sflag:s8], $0x0  }
0x24: {  	s3 =	sadd.s32 $0x88, s3;
	s6 =	simm.s32 @!p1 $0x1082;
	[sflag:s4] =	ssyncset.s32 $0xFFFFF086  }
0x25: {  	[simem:s6], [sflag:s4] =	dma.local [hbm:s3], $0xF7A  }
0x26: {  	[smem:$0x3F9F] =	sst s1;
	(tag) =	ssettag s2;
	_ =	strace s9  }
0x27: {  	s1 =	sld [smem:$0x3FAF]  }
0x28: {  	s2 =	sld [smem:$0x3FB0]  }
0x29: {  	s4 =	sld [smem:$0x3FB2]  }
0x2a: {  	p0 =	seq.s32 s5, $0x0;
	s5 =	sld [smem:$0x3FB3]  }
0x2b: {  	s6 =	sld [smem:$0x3FB4]  }
0x2c: {  	s7 =	sld [smem:$0x3FB5]  }
0x2d: {  	s3 =	simm.s32 $0x108;
	s8 =	sld [smem:$0x3FB6]  }
0x2e: {  	s3 =	simm.s32 @!p0 $0x1082;
	s9 =	sld [smem:$0x3FB7]  }
0x2f: {  	lr =	sadd.s32 s0, s3;
	s0 =	sld [smem:$0x3FAE]  }
0x30: {  	s3 =	sld [smem:$0x3FB1]  }
0x31: {  	[smem:$0x3FBA] =	sst s10  }
0x32: {  	s10 =	sld [smem:$0x3FB8];
	_ =	sdelay $0x3  }
0x33: {  	p0 =	seq.s32 s10, $0x1;
	s10 =	sld [smem:$0x3FBA];
	_ =	sdelay $0x3  }
0x34: {  	[smem:$0x3FBA] =	sst s10  }
0x35: {  	s10 =	sld [smem:$0x3FB9];
	_ =	sdelay $0x3  }
0x36: {  	p1 =	seq.s32 s10, $0x1;
	s10 =	sld [smem:$0x3FBA];
	_ =	sdelay $0x3  }
0x37: {  	[smem:$0x3FBA] =	sst s10  }
0x38: {  	s10 =	sld [smem:$0x3FBB]  }
0x39: {  	_ = 	snop;
	(pc) =	sbr.ind lr, $3  }
0x3a: {  	_ = 	snop  }
0x3b: {  	_ = 	snop  }
0x3c: {  	p2 =	seq.s32 s10, $0x1;
	s10 =	sld [smem:$0x3FBA]  }
0x3d: {  	_ =	shalt  }
0x3e: {  	_ =	shalt  }
0x3f: {  	_ =	shalt  }
0x40: {  	_ =	shalt  }
0x41: {  	_ =	shalt  }
0x42: {  	_ =	shalt  }
0x43: {  	_ =	shalt  }
0x44: {  	_ =	shalt  }
0x45: {  	_ =	shalt  }
0x46: {  	_ =	shalt  }
0x47: {  	_ =	shalt  }
0x48: {  	_ =	shalt  }
0x49: {  	_ =	shalt  }
0x4a: {  	_ =	shalt  }
0x4b: {  	_ =	shalt  }
0x4c: {  	_ =	shalt  }
0x4d: {  	_ =	shalt  }
0x4e: {  	_ =	shalt  }
0x4f: {  	_ =	shalt  }
0x50: {  	_ =	shalt  }
0x51: {  	_ =	shalt  }
0x52: {  	_ =	shalt  }
0x53: {  	_ =	shalt  }
0x54: {  	_ =	shalt  }
0x55: {  	_ =	shalt  }
0x56: {  	_ =	shalt  }
0x57: {  	_ =	shalt  }
0x58: {  	_ =	shalt  }
0x59: {  	_ =	shalt  }
0x5a: {  	_ =	shalt  }
0x5b: {  	_ =	shalt  }
0x5c: {  	_ =	shalt  }
0x5d: {  	_ =	shalt  }
0x5e: {  	_ =	shalt  }
0x5f: {  	_ =	shalt  }
0x60: {  	_ =	shalt  }
0x61: {  	_ =	shalt  }
0x62: {  	_ =	shalt  }
0x63: {  	_ =	shalt  }
0x64: {  	_ =	shalt  }
0x65: {  	_ =	shalt  }
0x66: {  	_ =	shalt  }
0x67: {  	_ =	shalt  }
0x68: {  	_ =	shalt  }
0x69: {  	_ =	shalt  }
0x6a: {  	_ =	shalt  }
0x6b: {  	_ =	shalt  }
0x6c: {  	_ =	shalt  }
0x6d: {  	_ =	shalt  }
0x6e: {  	_ =	shalt  }
0x6f: {  	_ =	shalt  }
0x70: {  	_ =	shalt  }
0x71: {  	_ =	shalt  }
0x72: {  	_ =	shalt  }
0x73: {  	_ =	shalt  }
0x74: {  	_ =	shalt  }
0x75: {  	_ =	shalt  }
0x76: {  	_ =	shalt  }
0x77: {  	_ =	shalt  }
0x78: {  	_ =	shalt  }
0x79: {  	_ =	shalt  }
0x7a: {  	_ =	shalt  }
0x7b: {  	_ =	shalt  }
0x7c: {  	_ =	shalt  }
0x7d: {  	_ =	shalt  }
0x7e: {  	_ =	shalt  }
0x7f: {  	_ =	shalt  }
0x80: {  	_ =	shalt  }
0x81: {  	_ =	shalt  }
0x82: {  	_ =	shalt  }
0x83: {  	_ =	shalt  }
0x84: {  	_ =	shalt  }
0x85: {  	_ =	shalt  }
0x86: {  	_ =	shalt  }
0x87: {  	_ =	shalt  }
.Lfunc_end0:
.L_simem_size_0:
called_computation_lowered:
.L_overlay_start_0:
0x88: {  	s0 =	sld [smem:$0x3FD9]  }
0x89: {  	s1 =	sld [smem:$0x3FFE];
	_ =	sdelay $0x3  }
0x8a: {  	s0 =	sadd.s32 s1, s0  }
0x8b: {  	[smem:$0x3FC6] =	sst s0  }
0x8c: {  	_ = 	snop  }
0x8d: {  	s0 =	sld [smem:$0x3FC9]  }
0x8e: {  	s17 =	sld [smem:$0x3FC8]  }
0x8f: {  	s2 =	sld [smem:$0x3FD0];
	(tm) =	ssettm $0x1  }
0x90: {  	s3 =	sld [smem:$0x3FFB];
	_ =	sdelay $0x3  }
0x91: {  	_ =	strace s3  }
0x92: {  	s3 =	sld [smem:$0x3FFC];
	_ =	sdelay $0x3  }
0x93: {  	_ =	strace s3  }
0x94: {  	s3 =	sld [smem:$0x3FFD];
	_ =	sdelay $0x3  }
0x95: {  	_ =	strace s3  }
0x96: {  	_ =	strace $0x8FFFFFFF  }
0x97: {  	s18 =	sld [smem:$0x3FDB];
	_ =	sdelay $0x1  }
0x98: {  	s4 =	simm.s32 $_scs_section_size  }
0x99: {  	s5 =	simm.s32 $_size__tile_overlayer_lowered;
	s6 =	simm.s32 $_tile_overlayer_lowered  }
0x9a: {  	s21 =	simm.s32 $0x1BFF;
	s20 =	sshll.u32 s6, $0x1;
	s3 =	sadd.s32 s4, s18  }
0x9b: {  	s7 =	simm.s32 $0x0;
	s19 =	sshll.u32 s5, $0x1;
	s5 =	sadd.s32 s20, s3  }
0x9c: {  	[timem:s7], [sflag:s21] =	dma.local [hbm:s5], s19  }
0x9d: {  	_ =	swait.ge [sflag:s21], s19  }
0x9e: {  	s4 =	ssub.s32 $0x0, s19;
	[sflag:s21] =	ssyncset.done $0x0  }
0x9f: {  	[sflag:s21] =	ssyncadd.s32 s4;
	_ =	sdelay $0x1  }
0xa0: {  	s22 =	simm.s32 $0x1B8B  }
0xa1: {  	_ =	swait.ge [sflag:s22], $0x1  }
0xa2: {  	[sflag:s22] =	ssyncset.done $0x0  }
0xa3: {  	s23 =	simm.s32 $0x1B8E;
	[sflag:s22] =	ssyncadd.s32 $0xFFFFFFFF  }
0xa4: {  	s24 =	simm.s32 $execute0_lowered;
	[smem:$0x3FD2] =	sst s23  }
0xa5: {  	s4 =	sshll.u32 s24, $0x1;
	_ =	strace $0x80000046;
	[dreg:$0x1] =	wrdreg $0xFFFFFFFF  }
0xa6: {  	s25 =	simm.s32 $_size_execute0_lowered;
	s3 =	sadd.s32 s3, s4;
	[dreg:$0x0] =	wrdreg $0x0  }
0xa7: {  	s4 =	sshll.u32 s25, $0x1;
	[dreg:$0x2] =	wrdreg s3  }
0xa8: {  	[dreg:$0x3] =	wrdreg s4  }
0xa9: {  	[dreg:$0x4] =	wrdreg $0xC0  }
0xaa: {  	_ =	task [dreg:s7], $0x5FFFF  }
0xab: {  	[dreg:$0x1] =	wrdreg $0xFFFFFFFF  }
0xac: {  	[dreg:$0x0] =	wrdreg $0x60  }
0xad: {  	[dreg:$0x2] =	wrdreg s0  }
0xae: {  	[dreg:$0x3] =	wrdreg s17  }
0xaf: {  	[dreg:$0x4] =	wrdreg s2  }
0xb0: {  	[dreg:$0x5] =	wrdreg $0x9  }
0xb1: {  	_ =	task.clear_ibuf [dreg:s7], $0x6FFFF;
	_ =	strace $0x90000046  }
0xb2: {  	s26 =	simm.s32 $0x9;
	_ =	strace $0x80000048  }
0xb3: {  	_ =	swait.ge [sflag:s26], $0x1  }
0xb4: {  	[sflag:s26] =	ssyncadd.s32 $0xFFFFFFFF  }
0xb5: {  	_ =	strace $0x90000048  }
0xb6: {  	_ =	sfence  }
0xb7: {  	s28 =	sld [smem:$0x0];
	_ =	sdelay $0x1  }
0xb8: {  	s29 =	srdreg.scid  }
0xb9: {  	s30 =	sshll.u32 s29, $0xD;
	s31 =	sshrl.u32 s29, $0x2  }
0xba: {  	s1 =	sand.u32 $0x1, s29;
	s2 =	sand.u32 $0x4000, s30;
	s0 =	sadd.s32 s31, s28  }
0xbb: {  	s1 =	sor.u32 s2, s1;
	s0 =	sshll.u32 s0, $0x11  }
0xbc: {  	s0 =	sor.u32 s0, s1  }
0xbd: {  	s0 =	sadd.s32 $0x8F2B, s0  }
0xbe: {  	[sflag:s0] =	ssyncadd.remote.s32 $0x1  }
0xbf: {  	_ =	sfence.sel $0xFFFF  }
0xc0: {  	[dreg:$0x0] =	wrdreg $0xFFFFFFFF;
	(pc) =	sbr.abs _section_cstart, $3  }
0xc1: {  	[dreg:$0x1] =	wrdreg $0xFFFFFFFF  }
0xc2: {  	_ =	task.clear_ibuf [dreg:s7], $0x2FFFF;
	_ =	strace $0x9FFFFFFF  }
0xc3: {  	(tm) =	ssettm $0x7FFFFFFF  }
tec
execute0_lowered:
.L_overlay_start_1:
0x0: {  	(tag) =	ssettag $0x1  }
0x1: {  	s5 =	rddreg [dreg:$0x0]  }
0x2: {  	s1 =	rddreg [dreg:$0x1]  }
0x3: {  	s2 =	rddreg [dreg:$0x2]  }
0x4: {  	s0 =	rddreg [dreg:$0x3];
	s6 =	simm.s32 $0x0  }
0x5: {  	[smem:$0x7FF] =	sst s6  }
0x6: {  	s4 =	simm.s32 $0x4000;
	s7 =	simm.s32 $0x1;
	_ =	strace $0x80000047  }
0x7: {  	[tilespmem:s4], [sflag:$0x1] =	stream.linear.gather [hbm4b:s1+s6], $0x80, $0x38;
	[tilespmem:$0x4080] =	vst v63  }
0x8: {  	s1 =	stileid.u32;
	_ =	swait.ge [sflag:s7], $0x80  }
0x9: {  	s3 =	sshll.u32 s1, $0xA;
	[sflag:s7] =	ssyncset.done $0x0  }
0xa: {  	s5 =	sadd.s32 s5, s3;
	[sflag:s7] =	ssyncadd.s32 $0xFFFFFF80  }
0xb: {  	v0 =	vimm.s32 $0x15;
	[tilespmem:s6], [sflag:$0x1] =	stream.linear.gather [hbm4b:s5+s6], $0x2000, $0x38;
	[tilespmem:$0x4080] =	vst v63  }
0xc: {  	_ =	swait.ge [sflag:s7], $0x2000  }
0xd: {  	[sflag:s7] =	ssyncset.done $0x0  }
0xe: {  	[sflag:s7] =	ssyncadd.s32 $0xFFFFE000  }
0xf: {  	v1 =	vld.msk [tilespmem:s4+$0x0], $0xffff  }
0x10: {  	v0 =	vld.idx.msk [tilespmem:v0+s4+$0x0], $0xffff;
	_ =	sdelay $0x4  }
0x11: {  	v0 =	vsub.f32 v0, v1;
	_ =	sdelay $0x1  }
0x12: {  	(erf) = vrcp.f32 v0  }
0x13: {  	s30 =	simm.s32 $0x40  }
0x14: {  	v2 =	vld [tilespmem:s30+$0x30]  }
0x15: {  	v18 =	vld [tilespmem:s30+$0xFFFFFFD0]  }
0x16: {  	v21 =	vld [tilespmem:s30+$0xFFFFFFE0]  }
0x17: {  	v13 =	vld [tilespmem:s30+$0xFFFFFFC0]  }
0x18: {  	v22 =	vld [tilespmem:s30+$0xFFFFFFF0]  }
0x19: {  	v17 =	vld [tilespmem:s30+$0x0]  }
0x1a: {  	s31 =	simm.s32 $0xC0;
	v19 =	vld [tilespmem:s30+$0x10]  }
0x1b: {  	v27 =	vld [tilespmem:s31+$0x30];
	v0 =	vpop (erf)  }
0x1c: {  	v20 =	vld [tilespmem:s30+$0x20];
	v3 =	vsub.f32 v2, v1;
	v4 =	vsub.f32 v18, v1;
	v0 =	vmul.f32 $2.100000000e+01, v0  }
0x1d: {  	v5 =	vsub.f32 v21, v1;
	v6 =	vsub.f32 v13, v1  }
0x1e: {  	v7 =	vsub.f32 v22, v1;
	v8 =	vsub.f32 v17, v1;
	v3 =	vmul.f32 v3, v0  }
0x1f: {  	v9 =	vsub.f32 v19, v1;
	v4 =	vmul.f32 v4, v0;
	v5 =	vmul.f32 v5, v0  }
0x20: {  	v30 =	vsub.f32 v27, v1;
	v6 =	vmul.f32 v6, v0;
	v7 =	vmul.f32 v7, v0  }
0x21: {  	v10 =	vsub.f32 v20, v1;
	v8 =	vmul.f32 v8, v0;
	v9 =	vmul.f32 v9, v0  }
0x22: {  	v30 =	vmul.f32 v30, v0;
	v3 =	vmax.f32 v3, $0.0e+00;
	v6 =	vmax.f32 v6, $0.0e+00  }
0x23: {  	v4 =	vmax.f32 v4, $0.0e+00;
	v5 =	vmax.f32 v5, $0.0e+00;
	v7 =	vmax.f32 v7, $0.0e+00  }
0x24: {  	v8 =	vmax.f32 v8, $0.0e+00;
	v3 =	vtrunc.f32 v3;
	v6 =	vtrunc.f32 v6  }
0x25: {  	v30 =	vmax.f32 v30, $0.0e+00;
	v4 =	vtrunc.f32 v4;
	v3 =	vcvt.f32.s32 v3  }
0x26: {  	v9 =	vmax.f32 v9, $0.0e+00;
	v5 =	vtrunc.f32 v5;
	v30 =	vtrunc.f32 v30  }
0x27: {  	v4 =	vcvt.f32.s32 v4;
	v5 =	vcvt.f32.s32 v5;
	vm0 =	vlt.s32 v3, $0x14  }
0x28: {  	v30 =	vcvt.f32.s32 v30;
	v11 =	vnsel vm0, $0x14, v3;
	v3 =	vcvt.f32.s32 v6  }
0x29: {  	vm15 =	vlt.s32 v4, $0x14;
	vm1 =	vlt.s32 v5, $0x14;
	v6 =	vmul.f32 v10, v0  }
0x2a: {  	v16 =	vnsel vm15, $0x14, v4;
	v23 =	vnsel vm1, $0x14, v5;
	v4 =	vld [tilespmem:s31+$0xFFFFFFF0];
	vm14 =	vlt.s32 v3, $0x14  }
0x2b: {  	v5 =	vld [tilespmem:s31+$0x0];
	v10 =	vnsel vm14, $0x14, v3;
	v3 =	vmax.f32 v6, $0.0e+00;
	v6 =	vtrunc.f32 v7  }
0x2c: {  	v7 =	vtrunc.f32 v8;
	v8 =	vtrunc.f32 v9  }
0x2d: {  	vm8 =	vlt.s32 v30, $0x14;
	v3 =	vtrunc.f32 v3;
	v6 =	vcvt.f32.s32 v6  }
0x2e: {  	v30 =	vnsel vm8, $0x14, v30;
	v7 =	vcvt.f32.s32 v7;
	v8 =	vcvt.f32.s32 v8;
	v9 =	vld.idx.msk [tilespmem:v11+s4+$0x0], $0xffff  }
0x2f: {  	v15 =	vcvt.s32.f32 v10;
	v12 =	vcvt.f32.s32 v3;
	v3 =	vld [tilespmem:s31+$0xFFFFFFE0];
	v57 =	vsub.f32 v4, v1  }
0x30: {  	v34 =	vld.idx.msk [tilespmem:v16+s4+$0x0], $0xffff;
	v35 =	vsub.f32 v5, v1;
	vm2 =	vlt.s32 v6, $0x14;
	vm3 =	vlt.s32 v7, $0x14  }
0x31: {  	vm4 =	vlt.s32 v8, $0x14;
	vm5 =	vlt.s32 v12, $0x14;
	v24 =	vnsel vm2, $0x14, v6;
	v14 =	vld.idx.msk [tilespmem:v10+s4+$0x0], $0xffff  }
0x32: {  	v25 =	vnsel vm3, $0x14, v7;
	v35 =	vmul.f32 v35, v0;
	v28 =	vnsel vm5, $0x14, v12;
	v12 =	vld [tilespmem:s31+$0x20]  }
0x33: {  	v6 =	vcvt.s32.f32 v11;
	v26 =	vnsel vm4, $0x14, v8;
	v10 =	vcvt.s32.f32 v23;
	v23 =	vld.idx.msk [tilespmem:v23+s4+$0x0], $0xffff  }
0x34: {  	v11 =	vcvt.s32.f32 v16;
	v35 =	vmax.f32 v35, $0.0e+00;
	v9 =	vsub.f32 v2, v9  }
0x35: {  	v8 =	vcvt.s32.f32 v24;
	v2 =	vld [tilespmem:s31+$0xFFFFFFD0];
	v33 =	vsub.f32 v3, v1;
	v35 =	vtrunc.f32 v35  }
0x36: {  	v34 =	vsub.f32 v18, v34;
	v59 =	vcvt.f32.s32 v35;
	v7 =	vmul.f32 v9, v0  }
0x37: {  	v9 =	vcvt.s32.f32 v25;
	v33 =	vmul.f32 v33, v0;
	v31 =	vsub.f32 v13, v14;
	v14 =	vld [tilespmem:s31+$0xFFFFFFC0]  }
0x38: {  	v24 =	vld.idx.msk [tilespmem:v24+s4+$0x0], $0xffff;
	v13 =	vcvt.s32.f32 v28;
	v37 =	vsub.f32 v12, v1;
	v38 =	vsub.f32 v21, v23  }
0x39: {  	v29 =	vadd.f32 v6, v7;
	v6 =	vld [tilespmem:s31+$0x10];
	v7 =	vcvt.s32.f32 v26;
	v33 =	vmax.f32 v33, $0.0e+00  }
0x3a: {  	s6 =	simm.s32 $0x2040;
	v32 =	vsub.f32 v2, v1;
	v16 =	vmul.f32 v31, v0;
	v37 =	vmul.f32 v37, v0  }
0x3b: {  	vm13 =	vlt.s32 v59, $0x14;
	v33 =	vtrunc.f32 v33;
	[tilespmem:s6+$0x30] =	vst v29;
	v29 =	vmul.f32 v34, v0  }
0x3c: {  	v25 =	vld.idx.msk [tilespmem:v25+s4+$0x0], $0xffff;
	v31 =	vmul.f32 v32, v0;
	v37 =	vmax.f32 v37, $0.0e+00;
	v18 =	vsub.f32 v14, v1  }
0x3d: {  	v32 =	vmul.f32 v57, v0;
	v58 =	vsub.f32 v22, v24;
	v21 =	vtrunc.f32 v37  }
0x3e: {  	v60 =	vld.idx.msk [tilespmem:v26+s4+$0x0], $0xffff;
	v36 =	vsub.f32 v6, v1;
	v31 =	vmax.f32 v31, $0.0e+00;
	v18 =	vmul.f32 v18, v0  }
0x3f: {  	v22 =	vld.idx.msk [tilespmem:v30+s4+$0x0], $0xffff;
	v32 =	vmax.f32 v32, $0.0e+00;
	v62 =	vcvt.f32.s32 v21;
	v31 =	vtrunc.f32 v31  }
0x40: {  	v32 =	vtrunc.f32 v32;
	v36 =	vmul.f32 v36, v0;
	v18 =	vmax.f32 v18, $0.0e+00  }
0x41: {  	v25 =	vsub.f32 v17, v25;
	v23 =	vcvt.f32.s32 v31;
	v18 =	vtrunc.f32 v18  }
0x42: {  	v21 =	vnsel vm13, $0x14, v59;
	v31 =	vcvt.f32.s32 v33;
	v18 =	vcvt.f32.s32 v18  }
0x43: {  	v17 =	vcvt.f32.s32 v32;
	vm15 =	vlt.s32 v62, $0x14;
	v33 =	vsub.f32 v19, v60  }
0x44: {  	v28 =	vld.idx.msk [tilespmem:v28+s4+$0x0], $0xffff;
	v27 =	vsub.f32 v27, v22;
	v36 =	vmax.f32 v36, $0.0e+00;
	vm9 =	vlt.s32 v18, $0x14  }
0x45: {  	vm10 =	vlt.s32 v23, $0x14;
	vm11 =	vlt.s32 v31, $0x14;
	v26 =	vnsel vm9, $0x14, v18  }
0x46: {  	vm12 =	vlt.s32 v17, $0x14;
	v36 =	vtrunc.f32 v36;
	v24 =	vnsel vm10, $0x14, v23  }
0x47: {  	v23 =	vnsel vm11, $0x14, v31;
	v22 =	vnsel vm12, $0x14, v17;
	v61 =	vcvt.f32.s32 v36  }
0x48: {  	v17 =	vnsel vm15, $0x14, v62;
	v31 =	vcvt.s32.f32 v30;
	v63 =	vmul.f32 v27, v0  }
0x49: {  	v30 =	vsub.f32 v20, v28;
	v28 =	vmul.f32 v58, v0;
	vm14 =	vlt.s32 v61, $0x14  }
0x4a: {  	s8 =	simm.s32 $0x140;
	s5 =	simm.s32 $0x2040;
	s7 =	simm.s32 $0x8;
	v32 =	vadd.f32 v31, v63;
	v31 =	vmul.f32 v38, v0;
	v18 =	vnsel vm14, $0x14, v61;
	v27 =	vld.idx.msk [tilespmem:v26+s4+$0x0], $0xffff  }
.LBB2_1:
0x4b: {  	v20 =	vld [tilespmem:s8+$0x30];
	s7 =	sadd.s32 $0x8, s7;
	v16 =	vadd.f32 v15, v16;
	v25 =	vmul.f32 v25, v0;
	v33 =	vmul.f32 v33, v0;
	s6 =	sadd.s32 $0x80, s6;
	v19 =	vmovc v12  }
0x4c: {  	v15 =	vcvt.s32.f32 v26;
	v12 =	vadd.f32 v11, v29;
	v26 =	vmul.f32 v30, v0;
	v34 =	vld [tilespmem:s8+$0xFFFFFFD0];
	p0 =	slt.u32 s7, $0x1F8;
	[tilespmem:s6+$0x30] =	vst v32  }
0x4d: {  	v11 =	vcvt.s32.f32 v24;
	v29 =	vld [tilespmem:s8+$0xFFFFFFE0];
	[tilespmem:s5+$0xFFFFFFC0] =	vst v16;
	v16 =	vadd.f32 v10, v31;
	v10 =	vcvt.s32.f32 v23  }
0x4e: {  	v31 =	vcvt.s32.f32 v21;
	v30 =	vld [tilespmem:s8+$0xFFFFFFF0];
	[tilespmem:s5+$0xFFFFFFD0] =	vst v12;
	v12 =	vadd.f32 v8, v28;
	v8 =	vcvt.s32.f32 v22  }
0x4f: {  	v35 =	vcvt.s32.f32 v17;
	v32 =	vcvt.s32.f32 v18;
	v28 =	vld [tilespmem:s8+$0x0];
	[tilespmem:s5+$0xFFFFFFE0] =	vst v16;
	v16 =	vadd.f32 v9, v25  }
0x50: {  	v27 =	vsub.f32 v14, v27;
	v9 =	vmov v31;
	v36 =	vld [tilespmem:s8+$0x10];
	v25 =	vsub.f32 v20, v1;
	[tilespmem:s5+$0xFFFFFFF0] =	vst v12  }
0x51: {  	v33 =	vadd.f32 v7, v33;
	v7 =	vmov v32;
	v31 =	vsub.f32 v34, v1;
	v12 =	vld [tilespmem:s8+$0x20];
	[tilespmem:s5+$0x0] =	vst v16  }
0x52: {  	v16 =	vmul.f32 v27, v0;
	v14 =	vld [tilespmem:s8+$0xFFFFFFC0];
	v32 =	vsub.f32 v29, v1;
	v25 =	vmul.f32 v25, v0  }
0x53: {  	v38 =	vadd.f32 v13, v26;
	v27 =	vmul.f32 v31, v0;
	v31 =	vsub.f32 v30, v1;
	v24 =	vld.idx.msk [tilespmem:v24+s4+$0x0], $0xffff  }
0x54: {  	v26 =	vmul.f32 v32, v0;
	v32 =	vsub.f32 v28, v1;
	v25 =	vmax.f32 v25, $0.0e+00;
	v23 =	vld.idx.msk [tilespmem:v23+s4+$0x0], $0xffff;
	[tilespmem:s5+$0x10] =	vst v33  }
0x55: {  	v31 =	vmul.f32 v31, v0;
	v33 =	vsub.f32 v36, v1;
	v25 =	vtrunc.f32 v25;
	v22 =	vld.idx.msk [tilespmem:v22+s4+$0x0], $0xffff;
	[tilespmem:s5+$0x20] =	vst v38;
	s5 =	smov.u32 s6  }
0x56: {  	v13 =	vmovc v35;
	v32 =	vmul.f32 v32, v0;
	v37 =	vsub.f32 v12, v1;
	v25 =	vcvt.f32.s32 v25;
	v21 =	vld.idx.msk [tilespmem:v21+s4+$0x0], $0xffff  }
0x57: {  	v27 =	vmax.f32 v27, $0.0e+00;
	v35 =	vsub.f32 v14, v1;
	v33 =	vmul.f32 v33, v0;
	v38 =	vld.idx.msk [tilespmem:v18+s4+$0x0], $0xffff  }
0x58: {  	v18 =	vmax.f32 v26, $0.0e+00;
	v26 =	vmul.f32 v37, v0;
	vm0 =	vlt.s32 v25, $0x14;
	v37 =	vld.idx.msk [tilespmem:v17+s4+$0x0], $0xffff  }
0x59: {  	v31 =	vmax.f32 v31, $0.0e+00;
	v17 =	vmul.f32 v35, v0;
	v35 =	vnsel vm0, $0x14, v25  }
0x5a: {  	v25 =	vmax.f32 v32, $0.0e+00;
	v32 =	vmax.f32 v33, $0.0e+00;
	v26 =	vmax.f32 v26, $0.0e+00  }
0x5b: {  	v27 =	vtrunc.f32 v27;
	v18 =	vtrunc.f32 v18;
	v17 =	vmax.f32 v17, $0.0e+00  }
0x5c: {  	v31 =	vtrunc.f32 v31;
	v33 =	vsub.f32 v2, v24;
	v2 =	vmovc v34;
	v17 =	vtrunc.f32 v17  }
0x5d: {  	v34 =	vsub.f32 v3, v23;
	v3 =	vmovc v29;
	v24 =	vtrunc.f32 v25;
	v32 =	vtrunc.f32 v32  }
0x5e: {  	v39 =	vsub.f32 v4, v22;
	v4 =	vmovc v30;
	v23 =	vtrunc.f32 v26;
	v17 =	vcvt.f32.s32 v17;
	v29 =	vld.idx.msk [tilespmem:v35+s4+$0x0], $0xffff  }
0x5f: {  	v18 =	vcvt.f32.s32 v18;
	v22 =	vcvt.f32.s32 v27;
	v25 =	vsub.f32 v5, v21;
	v5 =	vmovc v28  }
0x60: {  	v21 =	vcvt.f32.s32 v31;
	v27 =	vcvt.f32.s32 v24;
	vm0 =	vlt.s32 v17, $0x14  }
0x61: {  	v28 =	vcvt.f32.s32 v32;
	vm1 =	vlt.s32 v22, $0x14;
	v30 =	vcvt.f32.s32 v23  }
0x62: {  	vm2 =	vlt.s32 v18, $0x14;
	vm3 =	vlt.s32 v21, $0x14;
	vm4 =	vlt.s32 v27, $0x14  }
0x63: {  	vm5 =	vlt.s32 v30, $0x14;
	v26 =	vnsel vm0, $0x14, v17;
	vm0 =	vlt.s32 v28, $0x14  }
.Ltmp0:
0x64: {  	v23 =	vnsel vm2, $0x14, v18;
	v24 =	vnsel vm1, $0x14, v22;
	v20 =	vsub.f32 v20, v29;
	(pc) =	sbr.rel @p0 .LBB2_1-.Ltmp0, $4  }
0x65: {  	v22 =	vnsel vm3, $0x14, v21;
	v21 =	vnsel vm4, $0x14, v27;
	v18 =	vnsel vm0, $0x14, v28  }
0x66: {  	v17 =	vnsel vm5, $0x14, v30;
	v28 =	vcvt.s32.f32 v35;
	v20 =	vmul.f32 v20, v0  }
0x67: {  	v30 =	vsub.f32 v19, v37;
	v29 =	vmul.f32 v33, v0;
	v33 =	vsub.f32 v6, v38;
	v6 =	vmovc v36  }
0x68: {  	s8 =	sadd.s32 $0x80, s8;
	v31 =	vmul.f32 v34, v0;
	v32 =	vadd.f32 v28, v20;
	v28 =	vmul.f32 v39, v0;
	v27 =	vld.idx.msk [tilespmem:v26+s4+$0x0], $0xffff  }
0x69: {  	_ =	sdelay $0x3  }
0x6a: {  	v1 =	vld.idx.msk [tilespmem:v24+s4+$0x0], $0xffff  }
0x6b: {  	v15 =	vadd.f32 v15, v16;
	v41 =	vmul.f32 v25, v0;
	v19 =	vmul.f32 v33, v0;
	s6 =	sadd.s32 $0x80, s6;
	v20 =	vld.idx.msk [tilespmem:v23+s4+$0x0], $0xffff  }
0x6c: {  	v42 =	vcvt.s32.f32 v26;
	v11 =	vadd.f32 v11, v29;
	v43 =	vmul.f32 v30, v0;
	v44 =	vld.idx.msk [tilespmem:v22+s4+$0x0], $0xffff;
	[tilespmem:s6+$0x30] =	vst v32  }
0x6d: {  	v45 =	vcvt.s32.f32 v24;
	v46 =	vcvt.s32.f32 v23;
	v47 =	vld.idx.msk [tilespmem:v21+s4+$0x0], $0xffff;
	v10 =	vadd.f32 v10, v31;
	[tilespmem:s5+$0xFFFFFFC0] =	vst v15  }
0x6e: {  	v48 =	vcvt.s32.f32 v22;
	v50 =	vld.idx.msk [tilespmem:v18+s4+$0x0], $0xffff;
	v8 =	vadd.f32 v8, v28;
	[tilespmem:s5+$0xFFFFFFD0] =	vst v11;
	v49 =	vsub.f32 v14, v27  }
0x6f: {  	v51 =	vcvt.s32.f32 v21;
	v52 =	vld.idx.msk [tilespmem:v17+s4+$0x0], $0xffff;
	v9 =	vadd.f32 v9, v41;
	[tilespmem:s5+$0xFFFFFFE0] =	vst v10;
	v1 =	vsub.f32 v2, v1  }
0x70: {  	v53 =	vadd.f32 v7, v19;
	[tilespmem:s5+$0xFFFFFFF0] =	vst v8;
	v3 =	vsub.f32 v3, v20;
	v54 =	vmul.f32 v49, v0  }
0x71: {  	v55 =	vadd.f32 v13, v43;
	[tilespmem:s5+$0x0] =	vst v9;
	v4 =	vsub.f32 v4, v44;
	v1 =	vmul.f32 v1, v0  }
0x72: {  	[tilespmem:s5+$0x10] =	vst v53;
	v56 =	vsub.f32 v5, v47;
	v3 =	vmul.f32 v3, v0;
	v57 =	vadd.f32 v42, v54  }
0x73: {  	[tilespmem:s5+$0x20] =	vst v55;
	v6 =	vsub.f32 v6, v50;
	v4 =	vmul.f32 v4, v0;
	v1 =	vadd.f32 v45, v1  }
0x74: {  	v58 =	vsub.f32 v12, v52;
	v2 =	vmul.f32 v56, v0;
	v3 =	vadd.f32 v46, v3;
	[tilespmem:s6+$0xFFFFFFC0] =	vst v57  }
0x75: {  	v59 =	vcvt.s32.f32 v18;
	v6 =	vmul.f32 v6, v0;
	v60 =	vadd.f32 v48, v4;
	[tilespmem:s6+$0xFFFFFFD0] =	vst v1  }
0x76: {  	v61 =	vcvt.s32.f32 v17;
	v62 =	vmul.f32 v58, v0;
	v2 =	vadd.f32 v51, v2;
	[tilespmem:s6+$0xFFFFFFE0] =	vst v3  }
0x77: {  	v63 =	vadd.f32 v59, v6;
	[tilespmem:s6+$0xFFFFFFF0] =	vst v60  }
0x78: {  	v0 =	vadd.f32 v61, v62;
	[tilespmem:s6+$0x0] =	vst v2  }
0x79: {  	s2 =	sadd.s32 s2, s3;
	[tilespmem:s6+$0x10] =	vst v63  }
0x7a: {  	s29 =	simm.s32 $0x0;
	s30 =	simm.s32 $0x2000;
	s31 =	simm.s32 $0x1;
	[tilespmem:s6+$0x20] =	vst v0  }
0x7b: {  	[hbm4b:s2+s29] =	stream.linear.scatter [tilespmem:s30], [sflag:$0x1], $0x2000, $0x38;
	[tilespmem:$0x4080] =	vst v63  }
0x7c: {  	_ =	swait.ge [sflag:s31], $0x2000  }
0x7d: {  	[sflag:s31] =	ssyncset.done $0x0  }
0x7e: {  	[sflag:s31] =	ssyncadd.s32 $0xFFFFE000  }
0x7f: {  	_ =	sfence.sel $0x180000  }
0x80: {  	[bflag:$0x0] =	sbarrier.arrive $0xFFFF  }
0x81: {  	p0 =	sne.s32 s1, $0x0;
	_ =	strace $0x90000047  }
0x82: {  	s0 =	sadd.s32 @!p0 $0x100000, s0;
	[bflag:$0x2] =	sbarrier.arrive $0xFFFF  }
0x83: {  	[sflag:s0] =	ssyncadd.tile.s32 @!p0 $0x1;
	_ =	shalt  }
.Lfunc_end2:
_tile_overlayer_lowered:
.L_overlay_start_2:
0x84: {  	(tag) =	ssettag $0x2  }
0x85: {  	s0 =	rddreg [dreg:$0x0];
	s2 =	stileid.u32  }
0x86: {  	s1 =	rddreg [dreg:$0x1];
	p0 =	sne.s32 s2, $0x0  }
0x87: {  	s3 =	rddreg [dreg:$0x2];
	[bflag:$0x3] =	sbarrier.arrive $0xFFFF;
	s2 =	simm.s32 @!p0 $0x1C01  }
0x88: {  	[timem:s3], [sflag:s2] =	dma.local @!p0 [hbm:s0], s1  }
0x89: {  	s0 =	simm.s32 @!p0 $0x1  }
0x8a: {  	_ =	swait.ge @!p0 [sflag:s0], s1  }
0x8b: {  	s1 =	ssub.s32 @!p0 $0x0, s1;
	[sflag:s0] =	ssyncset.done @!p0 $0x0  }
0x8c: {  	[sflag:s0] =	ssyncadd.s32 @!p0 s1  }
0x8d: {  	[bflag:$0x3] =	sbarrier.arrive $0xFFFF  }
0x8e: {  	_ =	shalt  }

</sc_bundles>
